<compile_context>
chip_gen: v7x
topology: tpu7x:2x2x1
jax: 0.10.2.dev20260603
libtpu: 0.0.44.dev20260713+nightly
codegen_flags: <defaults>
</compile_context>

<pallas_src>
import functools

import jax
import jax.numpy as jnp
import numpy as np
from jax.experimental import pallas as pl
from jax.experimental.pallas import tpu as pltpu

_L = 5
_H = 512

_HIGH = jax.lax.Precision.HIGHEST


def _dot(a, b):
    return jax.lax.dot(a, b, precision=_HIGH, preferred_element_type=jnp.float32)


def _bdot(a, b):
    return jax.lax.dot(a.astype(jnp.bfloat16), b, preferred_element_type=jnp.float32)


def _fsq_kernel(x_ref, w1_ref, w2_ref, w3_ref, w4a_ref, w4r_ref,
                wi_ref, offs_ref, std_ref, mean_ref, out_ref, idx_ref):
    bf = jnp.bfloat16
    xb = x_ref[...]
    h1 = jnp.maximum(_bdot(xb, w1_ref[...]), 0.0)

    z = _bdot(h1, w2_ref[...])
    t1 = 0.25541281188299536
    t2 = 0.9729550745276566
    codes = ((z > -t2).astype(jnp.float32) + (z > -t1).astype(jnp.float32)
             + (z > t1).astype(jnp.float32) + (z > t2).astype(jnp.float32))
    zq = codes - 2.0

    idxf = _dot(codes, wi_ref[...]) + offs_ref[...]
    idx_ref[...] = jnp.transpose(idxf).astype(jnp.int32)

    zqd = (zq * 0.5).astype(bf)
    h2 = jnp.maximum(jax.lax.dot(zqd, w3_ref[...], preferred_element_type=jnp.float32), 0.0)
    reca = _bdot(h2[:, :1536], w4a_ref[...])
    recr = _bdot(h2[:, 1536:], w4r_ref[...])

    out = jnp.concatenate([
        reca[:, 63:72],
        recr[:, 0:3],
        reca[:, 15:63],
        reca[:, 0:15],
        recr[:, 3:66],
        reca[:, 72:73],
        recr[:, 66:69],
        recr[:, 69:132],
    ], axis=1)
    out_ref[...] = out * std_ref[...] + mean_ref[...]


def _block_diag(blocks):
    rows = sum(b.shape[0] for b in blocks)
    cols = sum(b.shape[1] for b in blocks)
    out = jnp.zeros((rows, cols), dtype=blocks[0].dtype)
    r = c = 0
    for b in blocks:
        out = jax.lax.dynamic_update_slice(out, b, (r, c))
        r += b.shape[0]
        c += b.shape[1]
    return out


@functools.partial(jax.jit, static_argnums=())
def kernel(x, lips_W1, lips_b1, lips_W2, lips_b2, lips_W3, lips_b3, lips_W4, lips_b4,
           exp_W1, exp_b1, exp_W2, exp_b2, exp_W3, exp_b3, exp_W4, exp_b4,
           rest_W1, rest_b1, rest_W2, rest_b2, rest_W3, rest_b3, rest_W4, rest_b4,
           rot_scale_W1, rot_scale_b1, rot_scale_W2, rot_scale_b2,
           rot_scale_W3, rot_scale_b3, rot_scale_W4, rot_scale_b4,
           mean, std):
    Bt, Ft, C = x.shape
    n_rows = Bt * Ft

    upd = jax.lax.dynamic_update_slice
    w1 = jnp.zeros((C, 4 * _H), dtype=jnp.float32)
    w1 = upd(w1, lips_W1, (60, 0))
    w1 = upd(w1, exp_W1, (12, _H))
    w1 = upd(w1, rot_scale_W1[:9], (0, 2 * _H))
    w1 = upd(w1, rot_scale_W1[9:], (138, 2 * _H))
    w1 = upd(w1, rest_W1[0:3], (9, 3 * _H))
    w1 = upd(w1, rest_W1[3:66], (75, 3 * _H))
    w1 = upd(w1, rest_W1[66:132], (139, 3 * _H))

    w2 = _block_diag([lips_W2, exp_W2, rot_scale_W2, rest_W2])
    w3 = _block_diag([lips_W3, exp_W3, rot_scale_W3, rest_W3])
    w4a = _block_diag([lips_W4, exp_W4, rot_scale_W4])
    w4r = rest_W4

    pw6 = _L ** np.arange(6, dtype=np.float32)
    pw8 = _L ** np.arange(8, dtype=np.float32)
    pw4 = _L ** np.arange(4, dtype=np.float32)
    wi = np.zeros((24, 4), dtype=np.float32)
    wi[0:6, 0] = pw6
    wi[6:12, 1] = pw6
    wi[16:24, 2] = pw8
    wi[12:16, 3] = pw4
    offs = np.array([[0.0, _L**6, 2 * _L**6, 2 * _L**6 + _L**8]], dtype=np.float32)
    wi = jnp.asarray(wi)
    offs = jnp.asarray(offs)

    bf = jnp.bfloat16
    w1 = w1.astype(bf)
    w2 = w2.astype(bf)
    w3 = w3.astype(bf)
    w4a = w4a.astype(bf)
    w4r = w4r.astype(bf)

    std2 = std[None, :]
    mean2 = mean[None, :]

    x2 = x.reshape(n_rows, C)
    blk = 2048
    grid = (n_rows // blk,)

    def _rep(shape):
        return pl.BlockSpec(shape, lambda i: (0,) * len(shape))

    out, idx = pl.pallas_call(
        _fsq_kernel,
        grid=grid,
        in_specs=[
            pl.BlockSpec((blk, C), lambda i: (i, 0)),
            _rep(w1.shape), _rep(w2.shape), _rep(w3.shape),
            _rep(w4a.shape), _rep(w4r.shape),
            _rep(wi.shape), _rep(offs.shape), _rep(std2.shape), _rep(mean2.shape),
        ],
        out_specs=[
            pl.BlockSpec((blk, C), lambda i: (i, 0)),
            pl.BlockSpec((4, blk), lambda i: (0, i)),
        ],
        out_shape=[
            jax.ShapeDtypeStruct((n_rows, C), jnp.float32),
            jax.ShapeDtypeStruct((4, n_rows), jnp.int32),
        ],
        compiler_params=pltpu.CompilerParams(
            dimension_semantics=("parallel",),
        ),
    )(x2, w1, w2, w3, w4a, w4r, wi, offs, std2, mean2)

    out = out.reshape(Bt, Ft, C)
    codes_stacked = idx.reshape(4, Bt, Ft)
    return out, codes_stacked

# --- scband reference (transcript-rebuilt; emitter-appended) ---
"""Pipeline reference for scband-tokenizer-module-77515569758748 (READ-ONLY COPY).

The authoritative reference and input builder live on the scoring server;
editing this copy changes nothing except your own understanding.
"""

import jax, jax.numpy as jnp
import numpy as np

GROUPS = [("lips", 15, 6), ("exp", 48, 6), ("rest", 132, 8), ("rot_scale", 10, 4)]
L = 5
H = 512
OFFSETS = {}
_c = 0
for (_name, _n, _D) in GROUPS:
    OFFSETS[_name] = _c
    _c += L ** _D


def _split(x):
    rot_scale = jnp.concatenate([x[..., :9], x[..., 138:139]], axis=-1)
    rest = jnp.concatenate([x[..., 9:12], x[..., 75:138], x[..., 139:205]], axis=-1)
    exp = x[..., 12:60]
    lips = x[..., 60:75]
    return lips, exp, rest, rot_scale


def _mlp(h, W1, b1, W2, b2):
    return jax.nn.relu(h @ W1 + b1) @ W2 + b2


def _fsq_quantize(z):
    half = (L - 1) / 2.0
    zb = jnp.tanh(z) * half
    zq = jnp.round(zb)
    z_ste = zb + jax.lax.stop_gradient(zq - zb)
    codes = (zq + half).astype(jnp.int32)
    return z_ste / half, codes


def _codes_to_index(codes, D):
    w = (L ** jnp.arange(D)).astype(jnp.int32)
    return jnp.sum(codes * w, axis=-1)


def setup_inputs(seed: int = 0):
    key = jax.random.key(seed)
    keys = jax.random.split(key, 64)
    ki = 0
    inp = {}
    inp["x"] = jax.random.normal(keys[ki], (64, 1024, 205), dtype=jnp.float32); ki += 1
    for name, n, D in GROUPS:
        for pname, shape in [("W1", (n, H)), ("b1", (H,)), ("W2", (H, D)), ("b2", (D,)), ("W3", (D, H)), ("b3", (H,)), ("W4", (H, n)), ("b4", (n,))]:
            if len(shape) == 2:
                inp[f"{name}_{pname}"] = jax.random.normal(keys[ki], shape, dtype=jnp.float32) * (1.0 / np.sqrt(shape[0]))
            else:
                inp[f"{name}_{pname}"] = jnp.zeros(shape, dtype=jnp.float32)
            ki += 1
    inp["mean"] = jax.random.normal(keys[ki], (205,), dtype=jnp.float32) * 0.1; ki += 1
    inp["std"] = jnp.abs(jax.random.normal(keys[ki], (205,), dtype=jnp.float32)) + 0.5
    return inp


def _forward(p):
    x = p["x"]
    lips, exp, rest, rot_scale = _split(x)
    feats = {"lips": lips, "exp": exp, "rest": rest, "rot_scale": rot_scale}
    recons = {}
    indices = []
    for name, n, D in GROUPS:
        z = _mlp(feats[name], p[name + "_W1"], p[name + "_b1"], p[name + "_W2"], p[name + "_b2"])
        zq, codes = _fsq_quantize(z)
        idx = _codes_to_index(codes, D) + OFFSETS[name]
        indices.append(idx)
        recons[name] = _mlp(zq, p[name + "_W3"], p[name + "_b3"], p[name + "_W4"], p[name + "_b4"])
    exp_full = jnp.concatenate([recons["exp"], recons["lips"]], axis=-1)
    out = jnp.zeros(x.shape, dtype=x.dtype)
    out = out.at[..., :9].set(recons["rot_scale"][..., :9])
    out = out.at[..., 9:12].set(recons["rest"][..., :3])
    out = out.at[..., 12:75].set(exp_full)
    out = out.at[..., 75:138].set(recons["rest"][..., 3:66])
    out = out.at[..., 138:139].set(recons["rot_scale"][..., 9:10])
    out = out.at[..., 139:142].set(recons["rest"][..., 66:69])
    out = out.at[..., 142:205].set(recons["rest"][..., 69:132])
    out = out * p["std"] + p["mean"]
    codes_stacked = jnp.stack(indices, axis=0)
    return out, codes_stacked


def reference(x,
              lips_W1, lips_b1, lips_W2, lips_b2, lips_W3, lips_b3, lips_W4, lips_b4,
              exp_W1, exp_b1, exp_W2, exp_b2, exp_W3, exp_b3, exp_W4, exp_b4,
              rest_W1, rest_b1, rest_W2, rest_b2, rest_W3, rest_b3, rest_W4, rest_b4,
              rot_scale_W1, rot_scale_b1, rot_scale_W2, rot_scale_b2, rot_scale_W3, rot_scale_b3, rot_scale_W4, rot_scale_b4,
              mean, std):
    p = {
        "x": x,
        "lips_W1": lips_W1, "lips_b1": lips_b1, "lips_W2": lips_W2, "lips_b2": lips_b2,
        "lips_W3": lips_W3, "lips_b3": lips_b3, "lips_W4": lips_W4, "lips_b4": lips_b4,
        "exp_W1": exp_W1, "exp_b1": exp_b1, "exp_W2": exp_W2, "exp_b2": exp_b2,
        "exp_W3": exp_W3, "exp_b3": exp_b3, "exp_W4": exp_W4, "exp_b4": exp_b4,
        "rest_W1": rest_W1, "rest_b1": rest_b1, "rest_W2": rest_W2, "rest_b2": rest_b2,
        "rest_W3": rest_W3, "rest_b3": rest_b3, "rest_W4": rest_W4, "rest_b4": rest_b4,
        "rot_scale_W1": rot_scale_W1, "rot_scale_b1": rot_scale_b1, "rot_scale_W2": rot_scale_W2, "rot_scale_b2": rot_scale_b2,
        "rot_scale_W3": rot_scale_W3, "rot_scale_b3": rot_scale_b3, "rot_scale_W4": rot_scale_W4, "rot_scale_b4": rot_scale_b4,
        "mean": mean, "std": std,
    }
    return _forward(p)

if __name__ == "__main__":
    import jax
    _d = setup_inputs()
    print(jax.jit(kernel)(*tuple(_d.values())))

</pallas_src>

<mosaic_0001>
module attributes {stable_mosaic.version = 14 : i64} {
  func.func @_fsq_kernel(%arg0: i32, %arg1: memref<2048x205xf32, #tpu.memory_space<vmem>>, %arg2: memref<205x2048xbf16, #tpu.memory_space<vmem>>, %arg3: memref<2048x24xbf16, #tpu.memory_space<vmem>>, %arg4: memref<24x2048xbf16, #tpu.memory_space<vmem>>, %arg5: memref<1536x73xbf16, #tpu.memory_space<vmem>>, %arg6: memref<512x132xbf16, #tpu.memory_space<vmem>>, %arg7: memref<24x4xf32, #tpu.memory_space<vmem>>, %arg8: memref<1x4xf32, #tpu.memory_space<vmem>>, %arg9: memref<1x205xf32, #tpu.memory_space<vmem>>, %arg10: memref<1x205xf32, #tpu.memory_space<vmem>>, %arg11: memref<2048x205xf32, #tpu.memory_space<vmem>>, %arg12: memref<4x2048xi32, #tpu.memory_space<vmem>>) attributes {dimension_semantics = [#tpu.dimension_semantics<parallel>], iteration_bounds = array<i64: 32>, scalar_prefetch = 0 : i64, scratch_operands = 0 : i64, tpu.core_type = #tpu.core_type<tc>, window_params = [{transform_indices = @transform_0, window_bounds = array<i64: 2048, 205>}, {pipeline_mode = #tpu.pipeline_mode<synchronous>, transform_indices = @transform_1, window_bounds = array<i64: 205, 2048>}, {pipeline_mode = #tpu.pipeline_mode<synchronous>, transform_indices = @transform_2, window_bounds = array<i64: 2048, 24>}, {pipeline_mode = #tpu.pipeline_mode<synchronous>, transform_indices = @transform_3, window_bounds = array<i64: 24, 2048>}, {pipeline_mode = #tpu.pipeline_mode<synchronous>, transform_indices = @transform_4, window_bounds = array<i64: 1536, 73>}, {pipeline_mode = #tpu.pipeline_mode<synchronous>, transform_indices = @transform_5, window_bounds = array<i64: 512, 132>}, {pipeline_mode = #tpu.pipeline_mode<synchronous>, transform_indices = @transform_6, window_bounds = array<i64: 24, 4>}, {pipeline_mode = #tpu.pipeline_mode<synchronous>, transform_indices = @transform_7, window_bounds = array<i64: 1, 4>}, {pipeline_mode = #tpu.pipeline_mode<synchronous>, transform_indices = @transform_8, window_bounds = array<i64: 1, 205>}, {pipeline_mode = #tpu.pipeline_mode<synchronous>, transform_indices = @transform_9, window_bounds = array<i64: 1, 205>}, {transform_indices = @transform_10, window_bounds = array<i64: 2048, 205>}, {transform_indices = @transform_11, window_bounds = array<i64: 4, 2048>}]} {
    %get3A = arith.constant 0 : index
    %get3A_0 = arith.constant 0 : index
    %get3A_1 = vector.load %arg1[%get3A, %get3A_0] : memref<2048x205xf32, #tpu.memory_space<vmem>>, vector<2048x205xf32>
    %get3A_2 = arith.constant 0 : index
    %get3A_3 = arith.constant 0 : index
    %get3A_4 = vector.load %arg2[%get3A_2, %get3A_3] : memref<205x2048xbf16, #tpu.memory_space<vmem>>, vector<205x2048xbf16>
    %convert_element_type3A = arith.truncf %get3A_1 : vector<2048x205xf32> to vector<2048x205xbf16>
    %dot_general3A = arith.constant dense<0.000000e+00> : vector<2048x2048xf32>
    %dot_general3A_5 = tpu.matmul %convert_element_type3A, %get3A_4, %dot_general3A {dimension_numbers = #tpu.dot_dimension_numbers<[1], [0], [0], [1], [0, 0, 1, 1], [], []>, transpose_lhs_hint = false} : vector<2048x205xbf16>, vector<205x2048xbf16>, vector<2048x2048xf32> -> vector<2048x2048xf32>
    %max3A = arith.constant 0.000000e+00 : f32
    %max3A_6 = vector.broadcast %max3A : f32 to vector<2048x2048xf32>
    %max3A_7 = arith.maximumf %dot_general3A_5, %max3A_6 : vector<2048x2048xf32>
    %get3A_8 = arith.constant 0 : index
    %get3A_9 = arith.constant 0 : index
    %get3A_10 = vector.load %arg3[%get3A_8, %get3A_9] : memref<2048x24xbf16, #tpu.memory_space<vmem>>, vector<2048x24xbf16>
    %convert_element_type3A_11 = arith.truncf %max3A_7 : vector<2048x2048xf32> to vector<2048x2048xbf16>
    %dot_general3A_12 = arith.constant dense<0.000000e+00> : vector<2048x24xf32>
    %dot_general3A_13 = tpu.matmul %convert_element_type3A_11, %get3A_10, %dot_general3A_12 {dimension_numbers = #tpu.dot_dimension_numbers<[1], [0], [0], [1], [0, 0, 1, 1], [], []>, transpose_lhs_hint = false} : vector<2048x2048xbf16>, vector<2048x24xbf16>, vector<2048x24xf32> -> vector<2048x24xf32>
    %gt3A = arith.constant -0.972955048 : f32
    %gt3A_14 = vector.broadcast %gt3A : f32 to vector<2048x24xf32>
    %gt3A_15 = arith.cmpf ogt, %dot_general3A_13, %gt3A_14 : vector<2048x24xf32>
    %convert_element_type3A_16 = arith.extui %gt3A_15 : vector<2048x24xi1> to vector<2048x24xi32>
    %convert_element_type3A_17 = arith.sitofp %convert_element_type3A_16 : vector<2048x24xi32> to vector<2048x24xf32>
    %gt3A_18 = arith.constant -0.255412817 : f32
    %gt3A_19 = vector.broadcast %gt3A_18 : f32 to vector<2048x24xf32>
    %gt3A_20 = arith.cmpf ogt, %dot_general3A_13, %gt3A_19 : vector<2048x24xf32>
    %convert_element_type3A_21 = arith.extui %gt3A_20 : vector<2048x24xi1> to vector<2048x24xi32>
    %convert_element_type3A_22 = arith.sitofp %convert_element_type3A_21 : vector<2048x24xi32> to vector<2048x24xf32>
    %add3A = arith.addf %convert_element_type3A_17, %convert_element_type3A_22 : vector<2048x24xf32>
    %gt3A_23 = arith.constant 0.255412817 : f32
    %gt3A_24 = vector.broadcast %gt3A_23 : f32 to vector<2048x24xf32>
    %gt3A_25 = arith.cmpf ogt, %dot_general3A_13, %gt3A_24 : vector<2048x24xf32>
    %convert_element_type3A_26 = arith.extui %gt3A_25 : vector<2048x24xi1> to vector<2048x24xi32>
    %convert_element_type3A_27 = arith.sitofp %convert_element_type3A_26 : vector<2048x24xi32> to vector<2048x24xf32>
    %add3A_28 = arith.addf %add3A, %convert_element_type3A_27 : vector<2048x24xf32>
    %gt3A_29 = arith.constant 0.972955048 : f32
    %gt3A_30 = vector.broadcast %gt3A_29 : f32 to vector<2048x24xf32>
    %gt3A_31 = arith.cmpf ogt, %dot_general3A_13, %gt3A_30 : vector<2048x24xf32>
    %convert_element_type3A_32 = arith.extui %gt3A_31 : vector<2048x24xi1> to vector<2048x24xi32>
    %convert_element_type3A_33 = arith.sitofp %convert_element_type3A_32 : vector<2048x24xi32> to vector<2048x24xf32>
    %add3A_34 = arith.addf %add3A_28, %convert_element_type3A_33 : vector<2048x24xf32>
    %sub3A = arith.constant 2.000000e+00 : f32
    %sub3A_35 = vector.broadcast %sub3A : f32 to vector<2048x24xf32>
    %sub3A_36 = arith.subf %add3A_34, %sub3A_35 : vector<2048x24xf32>
    %get3A_37 = arith.constant 0 : index
    %get3A_38 = arith.constant 0 : index
    %get3A_39 = vector.load %arg7[%get3A_37, %get3A_38] : memref<24x4xf32, #tpu.memory_space<vmem>>, vector<24x4xf32>
    %dot_general3A_40 = arith.constant dense<0.000000e+00> : vector<2048x4xf32>
    %dot_general3A_41 = tpu.matmul %add3A_34, %get3A_39, %dot_general3A_40 {dimension_numbers = #tpu.dot_dimension_numbers<[1], [0], [0], [1], [0, 0, 1, 1], [], []>, precision = #tpu.contract_precision<fp32>, transpose_lhs_hint = false} : vector<2048x24xf32>, vector<24x4xf32>, vector<2048x4xf32> -> vector<2048x4xf32>
    %get3A_42 = arith.constant 0 : index
    %get3A_43 = arith.constant 0 : index
    %get3A_44 = vector.load %arg8[%get3A_42, %get3A_43] : memref<1x4xf32, #tpu.memory_space<vmem>>, vector<1x4xf32>
    %add3A_45 = vector.broadcast %get3A_44 : vector<1x4xf32> to vector<2048x4xf32>
    %add3A_46 = arith.addf %dot_general3A_41, %add3A_45 : vector<2048x4xf32>
    %transpose3A = tpu.transpose %add3A_46, [1, 0] : vector<2048x4xf32> -> vector<4x2048xf32>
    %convert_element_type3A_47 = arith.fptosi %transpose3A : vector<4x2048xf32> to vector<4x2048xi32>
    %swap3A = arith.constant 0 : index
    %swap3A_48 = arith.constant 0 : index
    %swap3A_49 = vector.load %arg12[%swap3A, %swap3A_48] : memref<4x2048xi32, #tpu.memory_space<vmem>>, vector<4x2048xi32>
    tpu.vector_store %arg12[%swap3A, %swap3A_48], %convert_element_type3A_47 {strides = array<i32>} : memref<4x2048xi32, #tpu.memory_space<vmem>>, vector<4x2048xi32>,
    %mul3A = arith.constant 5.000000e-01 : f32
    %mul3A_50 = vector.broadcast %mul3A : f32 to vector<2048x24xf32>
    %mul3A_51 = arith.mulf %sub3A_36, %mul3A_50 : vector<2048x24xf32>
    %convert_element_type3A_52 = arith.truncf %mul3A_51 : vector<2048x24xf32> to vector<2048x24xbf16>
    %get3A_53 = arith.constant 0 : index
    %get3A_54 = arith.constant 0 : index
    %get3A_55 = vector.load %arg4[%get3A_53, %get3A_54] : memref<24x2048xbf16, #tpu.memory_space<vmem>>, vector<24x2048xbf16>
    %dot_general3A_56 = arith.constant dense<0.000000e+00> : vector<2048x2048xf32>
    %dot_general3A_57 = tpu.matmul %convert_element_type3A_52, %get3A_55, %dot_general3A_56 {dimension_numbers = #tpu.dot_dimension_numbers<[1], [0], [0], [1], [0, 0, 1, 1], [], []>, transpose_lhs_hint = false} : vector<2048x24xbf16>, vector<24x2048xbf16>, vector<2048x2048xf32> -> vector<2048x2048xf32>
    %max3A_58 = arith.constant 0.000000e+00 : f32
    %max3A_59 = vector.broadcast %max3A_58 : f32 to vector<2048x2048xf32>
    %max3A_60 = arith.maximumf %dot_general3A_57, %max3A_59 : vector<2048x2048xf32>
    %slice3A = vector.extract_strided_slice %max3A_60 {offsets = [0, 0], sizes = [2048, 1536], strides = [1, 1]} : vector<2048x2048xf32> to vector<2048x1536xf32>
    %get3A_61 = arith.constant 0 : index
    %get3A_62 = arith.constant 0 : index
    %get3A_63 = vector.load %arg5[%get3A_61, %get3A_62] : memref<1536x73xbf16, #tpu.memory_space<vmem>>, vector<1536x73xbf16>
    %convert_element_type3A_64 = arith.truncf %slice3A : vector<2048x1536xf32> to vector<2048x1536xbf16>
    %dot_general3A_65 = arith.constant dense<0.000000e+00> : vector<2048x73xf32>
    %dot_general3A_66 = tpu.matmul %convert_element_type3A_64, %get3A_63, %dot_general3A_65 {dimension_numbers = #tpu.dot_dimension_numbers<[1], [0], [0], [1], [0, 0, 1, 1], [], []>, transpose_lhs_hint = false} : vector<2048x1536xbf16>, vector<1536x73xbf16>, vector<2048x73xf32> -> vector<2048x73xf32>
    %slice3A_67 = vector.extract_strided_slice %max3A_60 {offsets = [0, 1536], sizes = [2048, 512], strides = [1, 1]} : vector<2048x2048xf32> to vector<2048x512xf32>
    %get3A_68 = arith.constant 0 : index
    %get3A_69 = arith.constant 0 : index
    %get3A_70 = vector.load %arg6[%get3A_68, %get3A_69] : memref<512x132xbf16, #tpu.memory_space<vmem>>, vector<512x132xbf16>
    %convert_element_type3A_71 = arith.truncf %slice3A_67 : vector<2048x512xf32> to vector<2048x512xbf16>
    %dot_general3A_72 = arith.constant dense<0.000000e+00> : vector<2048x132xf32>
    %dot_general3A_73 = tpu.matmul %convert_element_type3A_71, %get3A_70, %dot_general3A_72 {dimension_numbers = #tpu.dot_dimension_numbers<[1], [0], [0], [1], [0, 0, 1, 1], [], []>, transpose_lhs_hint = false} : vector<2048x512xbf16>, vector<512x132xbf16>, vector<2048x132xf32> -> vector<2048x132xf32>
    %slice3A_74 = vector.extract_strided_slice %dot_general3A_66 {offsets = [0, 63], sizes = [2048, 9], strides = [1, 1]} : vector<2048x73xf32> to vector<2048x9xf32>
    %slice3A_75 = vector.extract_strided_slice %dot_general3A_73 {offsets = [0, 0], sizes = [2048, 3], strides = [1, 1]} : vector<2048x132xf32> to vector<2048x3xf32>
    %slice3A_76 = vector.extract_strided_slice %dot_general3A_66 {offsets = [0, 15], sizes = [2048, 48], strides = [1, 1]} : vector<2048x73xf32> to vector<2048x48xf32>
    %slice3A_77 = vector.extract_strided_slice %dot_general3A_66 {offsets = [0, 0], sizes = [2048, 15], strides = [1, 1]} : vector<2048x73xf32> to vector<2048x15xf32>
    %slice3A_78 = vector.extract_strided_slice %dot_general3A_73 {offsets = [0, 3], sizes = [2048, 63], strides = [1, 1]} : vector<2048x132xf32> to vector<2048x63xf32>
    %slice3A_79 = vector.extract_strided_slice %dot_general3A_66 {offsets = [0, 72], sizes = [2048, 1], strides = [1, 1]} : vector<2048x73xf32> to vector<2048x1xf32>
    %slice3A_80 = vector.extract_strided_slice %dot_general3A_73 {offsets = [0, 66], sizes = [2048, 3], strides = [1, 1]} : vector<2048x132xf32> to vector<2048x3xf32>
    %slice3A_81 = vector.extract_strided_slice %dot_general3A_73 {offsets = [0, 69], sizes = [2048, 63], strides = [1, 1]} : vector<2048x132xf32> to vector<2048x63xf32>
    %concatenate3A = tpu.concatenate %slice3A_74, %slice3A_75, %slice3A_76, %slice3A_77, %slice3A_78, %slice3A_79, %slice3A_80, %slice3A_81 in 1 : vector<2048x9xf32>, vector<2048x3xf32>, vector<2048x48xf32>, vector<2048x15xf32>, vector<2048x63xf32>, vector<2048x1xf32>, vector<2048x3xf32>, vector<2048x63xf32> -> vector<2048x205xf32>
    %get3A_82 = arith.constant 0 : index
    %get3A_83 = arith.constant 0 : index
    %get3A_84 = vector.load %arg9[%get3A_82, %get3A_83] : memref<1x205xf32, #tpu.memory_space<vmem>>, vector<1x205xf32>
    %mul3A_85 = vector.broadcast %get3A_84 : vector<1x205xf32> to vector<2048x205xf32>
    %mul3A_86 = arith.mulf %concatenate3A, %mul3A_85 : vector<2048x205xf32>
    %get3A_87 = arith.constant 0 : index
    %get3A_88 = arith.constant 0 : index
    %get3A_89 = vector.load %arg10[%get3A_87, %get3A_88] : memref<1x205xf32, #tpu.memory_space<vmem>>, vector<1x205xf32>
    %add3A_90 = vector.broadcast %get3A_89 : vector<1x205xf32> to vector<2048x205xf32>
    %add3A_91 = arith.addf %mul3A_86, %add3A_90 : vector<2048x205xf32>
    %swap3A_92 = arith.constant 0 : index
    %swap3A_93 = arith.constant 0 : index
    %swap3A_94 = vector.load %arg11[%swap3A_92, %swap3A_93] : memref<2048x205xf32, #tpu.memory_space<vmem>>, vector<2048x205xf32>
    tpu.vector_store %arg11[%swap3A_92, %swap3A_93], %add3A_91 {strides = array<i32>} : memref<2048x205xf32, #tpu.memory_space<vmem>>, vector<2048x205xf32>,
    return
  }
  func.func @transform_0(%arg0: i32) -> (i32, i32) {
    %c0_i32 = arith.constant 0 : i32
    %c0_i32_0 = arith.constant 0 : i32
    return %arg0, %c0_i32 : i32, i32
  }
  func.func @transform_1(%arg0: i32) -> (i32, i32) {
    %c0_i32 = arith.constant 0 : i32
    %c0_i32_0 = arith.constant 0 : i32
    %c0_i32_1 = arith.constant 0 : i32
    return %c0_i32, %c0_i32_0 : i32, i32
  }
  func.func @transform_2(%arg0: i32) -> (i32, i32) {
    %c0_i32 = arith.constant 0 : i32
    %c0_i32_0 = arith.constant 0 : i32
    %c0_i32_1 = arith.constant 0 : i32
    return %c0_i32, %c0_i32_0 : i32, i32
  }
  func.func @transform_3(%arg0: i32) -> (i32, i32) {
    %c0_i32 = arith.constant 0 : i32
    %c0_i32_0 = arith.constant 0 : i32
    %c0_i32_1 = arith.constant 0 : i32
    return %c0_i32, %c0_i32_0 : i32, i32
  }
  func.func @transform_4(%arg0: i32) -> (i32, i32) {
    %c0_i32 = arith.constant 0 : i32
    %c0_i32_0 = arith.constant 0 : i32
    %c0_i32_1 = arith.constant 0 : i32
    return %c0_i32, %c0_i32_0 : i32, i32
  }
  func.func @transform_5(%arg0: i32) -> (i32, i32) {
    %c0_i32 = arith.constant 0 : i32
    %c0_i32_0 = arith.constant 0 : i32
    %c0_i32_1 = arith.constant 0 : i32
    return %c0_i32, %c0_i32_0 : i32, i32
  }
  func.func @transform_6(%arg0: i32) -> (i32, i32) {
    %c0_i32 = arith.constant 0 : i32
    %c0_i32_0 = arith.constant 0 : i32
    %c0_i32_1 = arith.constant 0 : i32
    return %c0_i32, %c0_i32_0 : i32, i32
  }
  func.func @transform_7(%arg0: i32) -> (i32, i32) {
    %c0_i32 = arith.constant 0 : i32
    %c0_i32_0 = arith.constant 0 : i32
    %c0_i32_1 = arith.constant 0 : i32
    return %c0_i32, %c0_i32_0 : i32, i32
  }
  func.func @transform_8(%arg0: i32) -> (i32, i32) {
    %c0_i32 = arith.constant 0 : i32
    %c0_i32_0 = arith.constant 0 : i32
    %c0_i32_1 = arith.constant 0 : i32
    return %c0_i32, %c0_i32_0 : i32, i32
  }
  func.func @transform_9(%arg0: i32) -> (i32, i32) {
    %c0_i32 = arith.constant 0 : i32
    %c0_i32_0 = arith.constant 0 : i32
    %c0_i32_1 = arith.constant 0 : i32
    return %c0_i32, %c0_i32_0 : i32, i32
  }
  func.func @transform_10(%arg0: i32) -> (i32, i32) {
    %c0_i32 = arith.constant 0 : i32
    %c0_i32_0 = arith.constant 0 : i32
    return %arg0, %c0_i32 : i32, i32
  }
  func.func @transform_11(%arg0: i32) -> (i32, i32) {
    %c0_i32 = arith.constant 0 : i32
    %c0_i32_0 = arith.constant 0 : i32
    return %c0_i32, %arg0 : i32, i32
  }
}

</mosaic_0001>

<sc_bundles>
// kernel: sparse-core-data-format-call.cloned.1.call-start
scs
called_computation_lowered:
.L_overlay_start_0:
0x0: {  	s2 =	sld [smem:$0x3FD9]  }
0x1: {  	s3 =	sld [smem:$0x3FFE];
	_ =	sdelay $0x1  }
0x2: {  	s1 =	srdreg.scid  }
0x3: {  	s0 =	sand.u32 $0x1, s1  }
0x4: {  	s15 =	sshll.u32 s0, $0xA;
	s2 =	sadd.s32 s3, s2  }
0x5: {  	s2 =	sadd.s32 s2, s15  }
0x6: {  	[smem:$0x3FB5] =	sst s2  }
0x7: {  	_ = 	snop  }
0x8: {  	s2 =	sld [smem:$0x3FD0];
	_ =	sdelay $0x2  }
0x9: {  	s16 =	simm.s32 $0xA;
	s4 =	simm.s32 $0x10  }
0xa: {  	[smem:s4], [sflag:s16] =	dma.local [hbm:s2], $0x1  }
0xb: {  	_ =	swait.eq [sflag:s16], $0x1  }
0xc: {  	[sflag:s16] =	ssyncset.done $0x0  }
0xd: {  	[sflag:s16] =	ssyncadd.s32 $0xFFFFFFFF  }
0xe: {  	s17 =	sld [smem:$0x10];
	(tm) =	ssettm $0x1  }
0xf: {  	s18 =	sld [smem:$0x3FFB];
	_ =	sdelay $0x3  }
0x10: {  	_ =	strace s18  }
0x11: {  	s3 =	sld [smem:$0x3FFC];
	_ =	sdelay $0x3  }
0x12: {  	_ =	strace s3  }
0x13: {  	s3 =	sld [smem:$0x3FFD];
	_ =	sdelay $0x3  }
0x14: {  	_ =	strace s3  }
0x15: {  	_ =	strace $0x8FFFFFFF  }
0x16: {  	s19 =	sld [smem:$0x3FDB];
	_ =	sdelay $0x1  }
0x17: {  	s20 =	simm.s32 $_scs_section_size  }
0x18: {  	s5 =	simm.s32 $_size__tile_overlayer_lowered;
	s6 =	simm.s32 $_tile_overlayer_lowered  }
0x19: {  	s23 =	simm.s32 $0x1BFF;
	s22 =	sshll.u32 s6, $0x1;
	s3 =	sadd.s32 s20, s19  }
0x1a: {  	s7 =	simm.s32 $0x0;
	s21 =	sshll.u32 s5, $0x1;
	s5 =	sadd.s32 s22, s3  }
0x1b: {  	[timem:s7], [sflag:s23] =	dma.local [hbm:s5], s21  }
0x1c: {  	_ =	swait.ge [sflag:s23], s21  }
0x1d: {  	s4 =	ssub.s32 $0x0, s21;
	[sflag:s23] =	ssyncset.done $0x0  }
0x1e: {  	[sflag:s23] =	ssyncadd.s32 s4;
	_ =	sdelay $0x1  }
0x1f: {  	s24 =	simm.s32 $0x1B8B  }
0x20: {  	_ =	swait.ge [sflag:s24], $0x1  }
0x21: {  	[sflag:s24] =	ssyncset.done $0x0  }
0x22: {  	s26 =	simm.s32 $0x1B8E;
	s25 =	sld [smem:$0x3FFE];
	[sflag:s24] =	ssyncadd.s32 $0xFFFFFFFF  }
0x23: {  	s27 =	simm.s32 $execute0_lowered;
	[smem:$0x3FD2] =	sst s26  }
0x24: {  	s5 =	sshll.u32 s27, $0x1;
	_ =	strace $0x80000046;
	[dreg:$0x1] =	wrdreg $0xFFFFFFFF  }
0x25: {  	s28 =	simm.s32 $_size_execute0_lowered;
	s3 =	sadd.s32 s3, s5;
	[dreg:$0x0] =	wrdreg $0x0  }
0x26: {  	s5 =	sshll.u32 s28, $0x1;
	[dreg:$0x2] =	wrdreg s3  }
0x27: {  	[dreg:$0x3] =	wrdreg s5  }
0x28: {  	[dreg:$0x4] =	wrdreg $0xC0  }
0x29: {  	_ =	task [dreg:s7], $0x5FFFF  }
0x2a: {  	[dreg:$0x1] =	wrdreg $0xFFFFFFFF  }
0x2b: {  	[dreg:$0x0] =	wrdreg $0x60  }
0x2c: {  	[dreg:$0x2] =	wrdreg s25  }
0x2d: {  	[dreg:$0x3] =	wrdreg s17  }
0x2e: {  	[dreg:$0x4] =	wrdreg $0x9  }
0x2f: {  	_ =	task.clear_ibuf [dreg:s7], $0x5FFFF;
	_ =	strace $0x90000046  }
0x30: {  	s29 =	simm.s32 $0x9;
	_ =	strace $0x80000048  }
0x31: {  	_ =	swait.ge [sflag:s29], $0x1  }
0x32: {  	[sflag:s29] =	ssyncadd.s32 $0xFFFFFFFF  }
0x33: {  	_ =	strace $0x90000048  }
0x34: {  	_ =	sfence  }
0x35: {  	s30 =	sld [smem:$0x0];
	_ =	sdelay $0x2  }
0x36: {  	s31 =	sshll.u32 s1, $0xD;
	s1 =	sshrl.u32 s1, $0x2  }
0x37: {  	s3 =	sand.u32 $0x4000, s31;
	s1 =	sadd.s32 s1, s30  }
0x38: {  	s0 =	sor.u32 s3, s0;
	s1 =	sshll.u32 s1, $0x11  }
0x39: {  	s0 =	sor.u32 s1, s0  }
0x3a: {  	s0 =	sadd.s32 $0x8F2B, s0  }
0x3b: {  	[sflag:s0] =	ssyncadd.remote.s32 $0x1  }
0x3c: {  	_ =	sfence.sel $0xFFFF  }
0x3d: {  	[dreg:$0x0] =	wrdreg $0xFFFFFFFF;
	(pc) =	sbr.abs _section_cstart, $3  }
0x3e: {  	[dreg:$0x1] =	wrdreg $0xFFFFFFFF  }
0x3f: {  	_ =	task.clear_ibuf [dreg:s7], $0x2FFFF;
	_ =	strace $0x9FFFFFFF  }
0x40: {  	(tm) =	ssettm $0x7FFFFFFF  }
0x41: {  	_ =	shalt  }
tec
execute0_lowered:
.L_overlay_start_1:
0x0: {  	(tag) =	ssettag $0x1  }
0x1: {  	s1 =	rddreg [dreg:$0x0]  }
0x2: {  	s2 =	rddreg [dreg:$0x1]  }
0x3: {  	s0 =	rddreg [dreg:$0x2]  }
0x4: {  	s4 =	srdreg.scid;
	_ =	strace $0x80000047;
	s6 =	simm.s32 $0x2  }
0x5: {  	s15 =	simm.s32 $0x0;
	p0 =	por $0x0, $0x0;
	s14 =	simm.s32 $0x0  }
0x6: {  	s16 =	simm.s32 $0x0;
	s7 =	simm.s32 $0x0;
	s9 =	simm.s32 $0x0  }
.Ltmp0:
0x7: {  	s10 =	simm.s32 $0x0;
	s11 =	simm.s32 $0x0;
	(pc) =	sbr.rel .LBB1_1-.Ltmp0, $4  }
0x8: {  	s12 =	simm.s32 $0x0;
	s3 =	sadd.s32 $0x201600, s1;
	s4 =	sshll.u32 s4, $0x4  }
0x9: {  	s1 =	stileid.u32;
	s5 =	sand.u32 $0x10, s4;
	s4 =	simm.s32 $0x1  }
0xa: {  	s8 =	simm.s32 $0x0;
	s5 =	sor.u32 s1, s5;
	[sflag:s4] =	ssyncpa.u1 $0x0  }
0xb: {  	[sflag:s6] =	ssyncpa.u1 $0x0;
	s6 =	simm.s32 $0x10000;
	s13 =	smov.u32 s5  }
.LBB1_5:
0xc: {  	p1 =	slt.u32 s8, $0x2;
	s18 =	smov.u32 s16  }
0xd: {  	p2 =	sgt.s32 @!p1 s15, $0x4D;
	s17 =	sshra.s32 @!p1 s15, $0x1F;
	p3 =	sgt.s32 @!p1 s16, $0x3F  }
0xe: {  	s19 =	sshra.s32 @!p1 s16, $0x1F;
	p2 =	por !p2, p1;
	s17 =	sand.u32 @!p1 s17, s15  }
0xf: {  	p3 =	por !p3, p1;
	s16 =	sand.u32 @!p1 s19, s16;
	s19 =	sshra.s32 @!p1 s14, $0x1F  }
0x10: {  	s18 =	simm.s32 @p3 $0x3F;
	p3 =	sgt.s32 @!p1 s14, $0x380;
	s15 =	simm.s32 @p2 $0x4D  }
0x11: {  	s16 =	ssub.s32 @!p1 s18, s16;
	p3 =	por !p3, p1;
	s18 =	smov.u32 s14  }
0x12: {  	s14 =	sand.u32 @!p1 s19, s14;
	s15 =	ssub.s32 @!p1 s15, s17;
	s18 =	simm.s32 @p3 $0x380  }
0x13: {  	s17 =	sadd.s32 @!p1 $0xFFFFFFC1, s16;
	s16 =	ssub.s32 @!p1 $0x40, s16;
	s14 =	ssub.s32 @!p1 s18, s14  }
0x14: {  	s18 =	sadd.s32 @!p1 $0xFFFFFFB3, s15;
	p2 =	sgt.s32 @!p1 s17, $0x0;
	s17 =	sadd.s32 @!p1 $0xFFFFFC80, s14  }
0x15: {  	s15 =	ssub.s32 @!p1 $0xCD, s15;
	p2 =	por !p2, p1;
	p3 =	sgt.s32 @!p1 s17, $0x7F  }
0x16: {  	s14 =	ssub.s32 @!p1 $0x400, s14;
	s16 =	simm.s32 @!p2 $0x0;
	p2 =	por !p3, p1  }
0x17: {  	s17 =	sadd.s32 $0x80, s11;
	p3 =	sgt.s32 @!p1 s18, $0x7F;
	s14 =	simm.s32 @!p2 $0x0  }
0x18: {  	s18 =	smov.u32 s12;
	p2 =	por !p3, p1;
	s14 =	smul.u32 @!p1 s16, s14  }
0x19: {  	s15 =	simm.s32 @!p2 $0x0;
	p2 =	sgt.s32 s17, $0xCC;
	s16 =	sadd.s32 $0x80, s12  }
0x1a: {  	s19 =	smov.u32 s13;
	s18 =	smov.u32 @p2 s16  }
0x1b: {  	s14 =	smul.u32 @!p1 s15, s14;
	p3 =	sgt.s32 s18, $0x3FF;
	s15 =	sadd.s32 $0x20, s13  }
0x1c: {  	s8 =	sadd.s32 $0x1, s8;
	p0 =	por !p0, !p0;
	s19 =	smov.u32 @p3 s15  }
0x1d: {  	s20 =	simm.s32 @!p1 $0x2;
	s17 =	simm.s32 @p2 $0x0;
	p2 =	sgt.s32 s19, $0x3F  }
0x1e: {  	s16 =	smov.u32 s10;
	s19 =	smov.u32 @p2 s5;
	p2 =	sne.s32 s8, $0x22  }
.Ltmp1:
0x1f: {  	s10 =	smov.u32 s13;
	s18 =	simm.s32 @p3 $0x0;
	(pc) =	sbr.rel @!p2 .LBB1_6-.Ltmp1, $4  }
0x20: {  	s15 =	smov.u32 s7;
	s7 =	smov.u32 s11;
	s14 =	sand.u32 @!p1 $0x3FFFFFFF, s14  }
0x21: {  	s11 =	smov.u32 s17;
	_ =	swait.ge @!p1 [sflag:s20], s14;
	s21 =	ssub.s32 @!p1 $0x0, s14  }
0x22: {  	s14 =	smov.u32 s9;
	s9 =	smov.u32 s12;
	[sflag:s20] =	ssyncset.done @!p1 $0x0  }
0x23: {  	s12 =	smov.u32 s18;
	s13 =	smov.u32 s19;
	[sflag:s20] =	ssyncadd.s32 @!p1 s21  }
.LBB1_1:
0x24: {  	p1 =	sgt.u32 s8, $0x1F  }
0x25: {  	s17 =	sxor.u32 @!p1 $0xFFFFFFFF, s8  }
0x26: {  	s18 =	sshll.u32 @!p1 s12, $0x8;
	s19 =	sshll.u32 @!p1 s11, $0x3;
	s20 =	sshll.u32 @!p1 s12, $0x7  }
0x27: {  	s21 =	sand.u32 @!p1 $0x78, s11;
	s18 =	sand.u32 @!p1 $0x3F800, s18;
	s19 =	sand.u32 @!p1 $0x3FC00, s19  }
0x28: {  	s17 =	sshll.u32 @!p1 s17, $0xE;
	s18 =	sadd.s32 @!p1 s18, s19;
	s19 =	sand.u32 @!p1 $0x300, s20  }
0x29: {  	s17 =	sand.u32 @!p1 $0x4000, s17;
	s18 =	sor.u32 @!p1 s19, s18;
	s19 =	sand.u32 @!p1 $0x80, s20  }
0x2a: {  	s20 =	sshll.u32 @!p1 s13, $0xF;
	s19 =	sor.u32 @!p1 s21, s19;
	s18 =	sshrl.u32 @!p1 s18, $0x3  }
0x2b: {  	s20 =	sadd.s32 @!p1 s3, s20;
	s21 =	sand.u32 @!p1 $0x7, s11;
	s19 =	sshrl.u32 @!p1 s19, $0x3  }
0x2c: {  	s18 =	sand.u32 @!p1 $0x7FE0, s18;
	s19 =	sadd.s32 @!p1 s19, s20;
	s20 =	sshll.u32 @!p1 s21, $0x12  }
0x2d: {  	s18 =	sadd.s32 @!p1 s18, s19;
	s19 =	sor.u32 @!p1 $0x400, s20;
	s20 =	simm.s32 @!p1 $0x800  }
0x2e: {  	[tilespmem:s17], [sflag:$0x1] =	stream.strided.gather @!p1 [hbm4b:s18+s19], $0x4000, s20, s19, $0x38;
	[tilespmem:$0x10100] =	vst v63  }
0x2f: {  	p1 =	seq.s32 s8, $0x0  }
0x30: {  	p2 =	seq.s32 @!p1 s8, $0x21  }
0x31: {  	p1 =	por p1, p2  }
.Ltmp2:
0x32: {  	_ = 	snop;
	(pc) =	sbr.rel @p1 .LBB1_5-.Ltmp2, $1  }
0x33: {  	_ =	sdelay $0x3  }
0x34: {  	s17 =	simm.s32 $0x1  }
0x35: {  	_ =	swait.ge [sflag:s4], $0x4000;
	s17 =	simm.s32 @!p0 $0x0  }
0x36: {  	[sflag:s4] =	ssyncset.done $0x0;
	s18 =	sshll.u32 s17, $0xE  }
0x37: {  	[sflag:s4] =	ssyncadd.s32 $0xFFFFC000;
	s18 =	sor.u32 $0x40, s18  }
0x38: {  	s17 =	smul.u32 $0x10200, s17;
	v0 =	vld [tilespmem:s18+$0x30]  }
0x39: {  	v1 =	vld [tilespmem:s18+$0xFFFFFFD0]  }
0x3a: {  	s17 =	sshrl.u32 s17, $0x2;
	v5 =	vld [tilespmem:s18+$0xFFFFFFE0]  }
0x3b: {  	v6 =	vld [tilespmem:s18+$0xFFFFFFF0];
	s20 =	sor.u32 $0x8000, s17  }
0x3c: {  	s31 =	sand.u32 $0x1, s8;
	v4 =	vld [tilespmem:s18+$0x0];
	s19 =	sadd.s32 $0x0, s20  }
0x3d: {  	v3 =	vld [tilespmem:s18+$0x10];
	s17 =	smul.u32 $0x10200, s31;
	[tilespmem:s19+$0x3870 ss:$0x81] =	vst.msk $0xffff, v0  }
0x3e: {  	v2 =	vld [tilespmem:s18+$0x20];
	[tilespmem:s19+$0x810 ss:$0x81] =	vst.msk $0xffff, v1  }
0x3f: {  	s17 =	sshrl.u32 s17, $0x2;
	v1 =	vld [tilespmem:s18+$0xFFFFFFC0];
	[tilespmem:s19+$0x1020 ss:$0x81] =	vst.msk $0xffff, v5;
	s18 =	sadd.s32 $0x80, s18  }
0x40: {  	s21 =	simm.s32 $0x4;
	s22 =	simm.s32 $0x8;
	s17 =	sor.u32 $0x8000, s17;
	[tilespmem:s19+$0x1830 ss:$0x81] =	vst.msk $0xffff, v6;
	v0 =	vld [tilespmem:s18+$0x30]  }
.LBB1_3:
0x41: {  	p1 =	sne.s32 s22, $0x1FC;
	v5 =	vld [tilespmem:s18+$0xFFFFFFD0];
	[tilespmem:s19+$0x2040 ss:$0x81] =	vst.msk $0xffff, v4  }
0x42: {  	v6 =	vld [tilespmem:s18+$0xFFFFFFE0];
	[tilespmem:s19+$0x2850 ss:$0x81] =	vst.msk $0xffff, v3  }
0x43: {  	s23 =	sshra.s32 s21, $0x2;
	s21 =	smov.u32 s22;
	v7 =	vld [tilespmem:s18+$0xFFFFFFF0];
	[tilespmem:s19+$0x3060 ss:$0x81] =	vst.msk $0xffff, v2  }
.Ltmp3:
0x44: {  	v4 =	vld [tilespmem:s18+$0x0];
	[tilespmem:s19+$0x0 ss:$0x81] =	vst.msk $0xffff, v1;
	s19 =	sadd.s32 s23, s20;
	(pc) =	sbr.rel @p1 .LBB1_3-.Ltmp3, $4  }
0x45: {  	v3 =	vld [tilespmem:s18+$0x10];
	[tilespmem:s19+$0x3870 ss:$0x81] =	vst.msk $0xffff, v0  }
0x46: {  	[tilespmem:s19+$0x810 ss:$0x81] =	vst.msk $0xffff, v5;
	v2 =	vld [tilespmem:s18+$0x20]  }
0x47: {  	v1 =	vld [tilespmem:s18+$0xFFFFFFC0];
	[tilespmem:s19+$0x1020 ss:$0x81] =	vst.msk $0xffff, v6;
	s18 =	sadd.s32 $0x80, s18  }
0x48: {  	s22 =	sadd.s32 $0x4, s22;
	v0 =	vld [tilespmem:s18+$0x30];
	[tilespmem:s19+$0x1830 ss:$0x81] =	vst.msk $0xffff, v7  }
0x49: {  	s21 =	sshra.s32 s21, $0x2;
	p1 =	sgt.s32 s7, $0x4D;
	s22 =	smov.u32 s7  }
0x4a: {  	s23 =	smov.u32 s10;
	s24 =	sshra.s32 s10, $0x1F;
	s26 =	sshra.s32 s9, $0x1F  }
0x4b: {  	s27 =	sshra.s32 s7, $0x1F;
	s22 =	simm.s32 @!p1 $0x4D;
	p1 =	sgt.s32 s10, $0x3F  }
0x4c: {  	s28 =	sand.u32 $0x78, s9;
	s25 =	sand.u32 s24, s10;
	s23 =	simm.s32 @!p1 $0x3F  }
0x4d: {  	s20 =	sadd.s32 s21, s20;
	s24 =	sand.u32 s26, s9;
	s21 =	ssub.s32 s23, s25  }
0x4e: {  	v5 =	vld [tilespmem:s18+$0xFFFFFFD0];
	[tilespmem:s19+$0x2040 ss:$0x81] =	vst.msk $0xffff, v4;
	p1 =	sgt.s32 s9, $0x380;
	s23 =	smov.u32 s9;
	s25 =	sadd.s32 $0xFFFFFFC1, s21  }
0x4f: {  	v58 =	vld [tilespmem:s18+$0xFFFFFFE0];
	[tilespmem:s19+$0x2850 ss:$0x81] =	vst.msk $0xffff, v3;
	s23 =	simm.s32 @!p1 $0x380;
	p1 =	sgt.s32 s25, $0x0;
	s25 =	sand.u32 s27, s7  }
0x50: {  	v59 =	vld [tilespmem:s18+$0xFFFFFFF0];
	[tilespmem:s19+$0x3060 ss:$0x81] =	vst.msk $0xffff, v2;
	s21 =	ssub.s32 $0x40, s21;
	s23 =	ssub.s32 s23, s24;
	s29 =	ssub.s32 s22, s25  }
0x51: {  	v60 =	vld [tilespmem:s18+$0x0];
	[tilespmem:s19+$0x0 ss:$0x81] =	vst.msk $0xffff, v1;
	s21 =	simm.s32 @p1 $0x0;
	s30 =	sadd.s32 $0xFFFFFC80, s23;
	s23 =	ssub.s32 $0x400, s23  }
0x52: {  	v61 =	vld [tilespmem:s18+$0x10];
	[tilespmem:s20+$0x3870 ss:$0x81] =	vst.msk $0xffff, v0;
	s25 =	sshll.u32 s10, $0x7;
	p1 =	sgt.s32 s30, $0x7F;
	s31 =	sadd.s32 $0xFFFFFFB3, s29  }
0x53: {  	v62 =	vld [tilespmem:s18+$0x20];
	[tilespmem:s20+$0x810 ss:$0x81] =	vst.msk $0xffff, v5;
	s27 =	sand.u32 $0x380, s25;
	s19 =	ssub.s32 $0xCD, s29;
	s22 =	sand.u32 $0x1C00, s25  }
0x54: {  	v63 =	vld [tilespmem:s18+$0xFFFFFFC0];
	[tilespmem:s20+$0x1020 ss:$0x81] =	vst.msk $0xffff, v58;
	s29 =	sand.u32 $0x7, s9;
	s23 =	simm.s32 @p1 $0x0;
	p1 =	sgt.s32 s31, $0x7F  }
0x55: {  	[tilespmem:s20+$0x1830 ss:$0x81] =	vst.msk $0xffff, v59;
	s22 =	sadd.s32 s9, s22;
	s26 =	smul.u32 s21, s23;
	s21 =	sor.u32 s28, s27  }
.Ltmp4:
0x56: {  	[tilespmem:s20+$0x2040 ss:$0x81] =	vst.msk $0xffff, v60;
	s19 =	simm.s32 @p1 $0x0;
	s28 =	sshll.u32 s7, $0xD;
	(pc) =	sbr.rel .LBB1_5-.Ltmp4, $4  }
0x57: {  	[tilespmem:s20+$0x2850 ss:$0x81] =	vst.msk $0xffff, v61;
	s21 =	sshrl.u32 s21, $0x3;
	s18 =	smul.u32 s19, s26;
	s19 =	sadd.s32 s2, s28  }
0x58: {  	[tilespmem:s20+$0x3060 ss:$0x81] =	vst.msk $0xffff, v62;
	s30 =	sshll.u32 s29, $0x12;
	s22 =	sand.u32 $0x1F80, s22;
	s19 =	sadd.s32 s21, s19  }
0x59: {  	[tilespmem:s20+$0x0 ss:$0x81] =	vst.msk $0xffff, v63;
	s31 =	sor.u32 $0x80, s30;
	s18 =	sand.u32 $0x3FFFFFFF, s18;
	s19 =	sadd.s32 s22, s19  }
0x5a: {  	[hbm4b:s19+s31] =	stream.strided.scatter [tilespmem:s17], [sflag:$0x2], s18, s6, s31, $0x20;
	[tilespmem:$0x10100] =	vst v63  }
.LBB1_6:
0x5b: {  	_ =	sfence.sel $0x180000  }
0x5c: {  	s2 =	simm.s32 $0x1;
	[bflag:$0x0] =	sbarrier.arrive $0xFFFF  }
0x5d: {  	s31 =	simm.s32 $0x2;
	[sflag:s2] =	ssyncpa.u1 $0x1  }
0x5e: {  	[sflag:s31] =	ssyncpa.u1 $0x1  }
0x5f: {  	p0 =	sne.s32 s1, $0x0;
	_ =	strace $0x90000047  }
0x60: {  	s0 =	sadd.s32 @!p0 $0x100000, s0;
	[bflag:$0x2] =	sbarrier.arrive $0xFFFF  }
0x61: {  	[sflag:s0] =	ssyncadd.tile.s32 @!p0 $0x1;
	_ =	shalt  }
.Lfunc_end1:
_tile_overlayer_lowered:
.L_overlay_start_2:
0x62: {  	(tag) =	ssettag $0x2  }
0x63: {  	s0 =	rddreg [dreg:$0x0];
	s2 =	stileid.u32  }
0x64: {  	s1 =	rddreg [dreg:$0x1];
	p0 =	sne.s32 s2, $0x0  }
0x65: {  	s3 =	rddreg [dreg:$0x2];
	[bflag:$0x3] =	sbarrier.arrive $0xFFFF;
	s2 =	simm.s32 @!p0 $0x1C01  }
0x66: {  	[timem:s3], [sflag:s2] =	dma.local @!p0 [hbm:s0], s1  }
0x67: {  	s0 =	simm.s32 @!p0 $0x1  }
0x68: {  	_ =	swait.ge @!p0 [sflag:s0], s1  }
0x69: {  	s1 =	ssub.s32 @!p0 $0x0, s1;
	[sflag:s0] =	ssyncset.done @!p0 $0x0  }
0x6a: {  	[sflag:s0] =	ssyncadd.s32 @!p0 s1  }
0x6b: {  	[bflag:$0x3] =	sbarrier.arrive $0xFFFF  }
0x6c: {  	_ =	shalt  }

</sc_bundles>
